<compile_context>
chip_gen: v7x
topology: tpu7x:2x2x1
jax: 0.10.2.dev20260603
libtpu: 0.0.44.dev20260713+nightly
codegen_flags: <defaults>
</compile_context>

<pallas_src>
import functools
import jax
import jax.numpy as jnp
from jax import lax
from jax.experimental import pallas as pl
from jax.experimental.pallas import tpu as pltpu
from jax.experimental.pallas import tpu_sc as plsc

R, C = 128, 100000
T = 96
S = R - T
NC, NS = 2, 16
NW = NC * NS
SC_ROWS_PER_W = 1

def _tc_copy(x_ref, o_ref):
    o_ref[...] = x_ref[...]

def _sc_copy(in_hbm, out_hbm, row_v):
    c = lax.axis_index("c")
    s = lax.axis_index("s")
    wid = s * NC + c
    row = T + wid
    pltpu.sync_copy(in_hbm.at[row], row_v)
    pltpu.sync_copy(row_v, out_hbm.at[wid])

@jax.jit
def kernel(inputs):
    tc = pl.pallas_call(
        _tc_copy,
        grid=(T // 16,),
        in_specs=[pl.BlockSpec((16, C), lambda i: (i, 0))],
        out_specs=pl.BlockSpec((16, C), lambda i: (i, 0)),
        out_shape=jax.ShapeDtypeStruct((T, C), jnp.float32),
        compiler_params=pltpu.CompilerParams(dimension_semantics=("arbitrary",)),
    )(inputs)
    sc = functools.partial(
        pl.kernel,
        out_type=jax.ShapeDtypeStruct((S, C), jnp.float32),
        mesh=plsc.VectorSubcoreMesh(core_axis_name="c", subcore_axis_name="s"),
        scratch_types=[pltpu.VMEM((C,), jnp.float32)],
        compiler_params=pltpu.CompilerParams(needs_layout_passes=False),
    )(_sc_copy)(inputs)
    return jnp.concatenate([tc, sc], axis=0)

# --- scband reference (transcript-rebuilt; emitter-appended) ---
"""Pipeline reference for scband-softmax-sampling-9964324126981 (READ-ONLY COPY).

The authoritative reference and input builder live on the scoring server;
editing this copy changes nothing except your own understanding.
"""

import jax, jax.numpy as jnp
import numpy as np


def setup_inputs(seed: int = 0) -> dict:
    key = jax.random.key(seed)
    inputs = jax.random.normal(key, (128, 100000), dtype=jnp.float32)
    return {"inputs": inputs}


def reference(inputs):
    # Faithful translation of the training-mode path of SoftmaxSampling:
    #   softmax(inputs, dim=1)
    # (eval mode would sample OneHotCategorical(logits=inputs); the
    # deterministic training path is used as the reference computation)
    m = jnp.max(inputs, axis=1, keepdims=True)
    e = jnp.exp(inputs - m)
    return e / jnp.sum(e, axis=1, keepdims=True)

if __name__ == "__main__":
    import jax
    _d = setup_inputs()
    print(jax.jit(kernel)(*tuple(_d.values())))

</pallas_src>

<mosaic_0001>
#map = affine_map<(d0, d1) -> (0, 0)>
module attributes {stable_mosaic.version = 14 : i64} {
  func.func @_sc_copy(%arg0: i32, %arg1: i32, %arg2: memref<128x100000xf32, #tpu.memory_space<hbm>>, %arg3: memref<32x100000xf32, #tpu.memory_space<hbm>>, %arg4: memref<100000xf32, #tpu.memory_space<vmem>>) attributes {dimension_semantics = [#tpu.dimension_semantics<core_parallel>, #tpu.dimension_semantics<subcore_parallel>], iteration_bounds = array<i64: 2, 16>, scalar_prefetch = 0 : i64, scratch_operands = 1 : i64, tpu.core_type = #tpu.core_type<sc_vector_subcore>, window_params = [{transform_indices = #map}, {transform_indices = #map}]} {
    %mul3A = arith.constant 2 : i32
    %mul3A_0 = arith.muli %arg1, %mul3A : i32
    %add3A = arith.addi %mul3A_0, %arg0 : i32
    %add3A_1 = arith.constant 96 : i32
    %add3A_2 = arith.addi %add3A_1, %add3A : i32
    "tpu.region"() ({
      %run_scoped3A = tpu.sem_alloc : memref<!tpu.dma_semaphore, #tpu.memory_space<semaphore_mem>>
      %dma_start3A = arith.constant 0 : i32
      %dma_start3A_3 = tpu.memref_slice %arg2[%add3A_2, %dma_start3A] : memref<128x100000xf32, #tpu.memory_space<hbm>> -> memref<1x100000xf32, #tpu.memory_space<hbm>>
      %dma_start3A_4 = tpu.memref_squeeze %dma_start3A_3 : memref<1x100000xf32, #tpu.memory_space<hbm>> -> memref<100000xf32, #tpu.memory_space<hbm>>
      %dma_start3A_5 = arith.constant 0 : i32
      %dma_start3A_6 = tpu.memref_slice %arg2[%add3A_2, %dma_start3A_5] : memref<128x100000xf32, #tpu.memory_space<hbm>> -> memref<1x100000xf32, #tpu.memory_space<hbm>>
      %dma_start3A_7 = tpu.memref_squeeze %dma_start3A_6 : memref<1x100000xf32, #tpu.memory_space<hbm>> -> memref<100000xf32, #tpu.memory_space<hbm>>
      tpu.enqueue_dma source(%dma_start3A_7 : memref<100000xf32, #tpu.memory_space<hbm>>) target(%arg4 : memref<100000xf32, #tpu.memory_space<vmem>>) target_semaphore(%run_scoped3A : memref<!tpu.dma_semaphore, #tpu.memory_space<semaphore_mem>>)
      %dma_wait3A = arith.constant 0 : i32
      %dma_wait3A_8 = tpu.memref_slice %arg2[%add3A_2, %dma_wait3A] : memref<128x100000xf32, #tpu.memory_space<hbm>> -> memref<1x100000xf32, #tpu.memory_space<hbm>>
      %dma_wait3A_9 = tpu.memref_squeeze %dma_wait3A_8 : memref<1x100000xf32, #tpu.memory_space<hbm>> -> memref<100000xf32, #tpu.memory_space<hbm>>
      %dma_wait3A_10 = arith.constant 0 : i32
      %dma_wait3A_11 = tpu.memref_slice %arg2[%add3A_2, %dma_wait3A_10] : memref<128x100000xf32, #tpu.memory_space<hbm>> -> memref<1x100000xf32, #tpu.memory_space<hbm>>
      %dma_wait3A_12 = tpu.memref_squeeze %dma_wait3A_11 : memref<1x100000xf32, #tpu.memory_space<hbm>> -> memref<100000xf32, #tpu.memory_space<hbm>>
      tpu.wait_dma2 semaphore(%run_scoped3A : memref<!tpu.dma_semaphore, #tpu.memory_space<semaphore_mem>>) src(%dma_wait3A_12 : memref<100000xf32, #tpu.memory_space<hbm>>) dst(%arg4 : memref<100000xf32, #tpu.memory_space<vmem>>)
      tpu.yield
    }) : () -> ()
    "tpu.region"() ({
      %run_scoped3A = tpu.sem_alloc : memref<!tpu.dma_semaphore, #tpu.memory_space<semaphore_mem>>
      %dma_start3A = arith.constant 0 : i32
      %dma_start3A_3 = tpu.memref_slice %arg3[%add3A, %dma_start3A] : memref<32x100000xf32, #tpu.memory_space<hbm>> -> memref<1x100000xf32, #tpu.memory_space<hbm>>
      %dma_start3A_4 = tpu.memref_squeeze %dma_start3A_3 : memref<1x100000xf32, #tpu.memory_space<hbm>> -> memref<100000xf32, #tpu.memory_space<hbm>>
      %dma_start3A_5 = arith.constant 0 : i32
      %dma_start3A_6 = tpu.memref_slice %arg3[%add3A, %dma_start3A_5] : memref<32x100000xf32, #tpu.memory_space<hbm>> -> memref<1x100000xf32, #tpu.memory_space<hbm>>
      %dma_start3A_7 = tpu.memref_squeeze %dma_start3A_6 : memref<1x100000xf32, #tpu.memory_space<hbm>> -> memref<100000xf32, #tpu.memory_space<hbm>>
      tpu.enqueue_dma source(%arg4 : memref<100000xf32, #tpu.memory_space<vmem>>) target(%dma_start3A_7 : memref<100000xf32, #tpu.memory_space<hbm>>) target_semaphore(%run_scoped3A : memref<!tpu.dma_semaphore, #tpu.memory_space<semaphore_mem>>)
      %dma_wait3A = arith.constant 0 : i32
      %dma_wait3A_8 = tpu.memref_slice %arg3[%add3A, %dma_wait3A] : memref<32x100000xf32, #tpu.memory_space<hbm>> -> memref<1x100000xf32, #tpu.memory_space<hbm>>
      %dma_wait3A_9 = tpu.memref_squeeze %dma_wait3A_8 : memref<1x100000xf32, #tpu.memory_space<hbm>> -> memref<100000xf32, #tpu.memory_space<hbm>>
      %dma_wait3A_10 = arith.constant 0 : i32
      %dma_wait3A_11 = tpu.memref_slice %arg3[%add3A, %dma_wait3A_10] : memref<32x100000xf32, #tpu.memory_space<hbm>> -> memref<1x100000xf32, #tpu.memory_space<hbm>>
      %dma_wait3A_12 = tpu.memref_squeeze %dma_wait3A_11 : memref<1x100000xf32, #tpu.memory_space<hbm>> -> memref<100000xf32, #tpu.memory_space<hbm>>
      tpu.wait_dma2 semaphore(%run_scoped3A : memref<!tpu.dma_semaphore, #tpu.memory_space<semaphore_mem>>) src(%arg4 : memref<100000xf32, #tpu.memory_space<vmem>>) dst(%dma_wait3A_12 : memref<100000xf32, #tpu.memory_space<hbm>>)
      tpu.yield
    }) : () -> ()
    return
  }
}

module attributes {stable_mosaic.version = 14 : i64} {
  func.func @_tc_copy(%arg0: i32, %arg1: memref<16x100000xf32, #tpu.memory_space<vmem>>, %arg2: memref<16x100000xf32, #tpu.memory_space<vmem>>) attributes {dimension_semantics = [#tpu.dimension_semantics<arbitrary>], iteration_bounds = array<i64: 6>, scalar_prefetch = 0 : i64, scratch_operands = 0 : i64, tpu.core_type = #tpu.core_type<tc>, window_params = [{transform_indices = @transform_0, window_bounds = array<i64: 16, 100000>}, {transform_indices = @transform_1, window_bounds = array<i64: 16, 100000>}]} {
    %get3A = arith.constant 0 : index
    %get3A_0 = arith.constant 0 : index
    %get3A_1 = vector.load %arg1[%get3A, %get3A_0] : memref<16x100000xf32, #tpu.memory_space<vmem>>, vector<16x100000xf32>
    %swap3A = arith.constant 0 : index
    %swap3A_2 = arith.constant 0 : index
    %swap3A_3 = vector.load %arg2[%swap3A, %swap3A_2] : memref<16x100000xf32, #tpu.memory_space<vmem>>, vector<16x100000xf32>
    tpu.vector_store %arg2[%swap3A, %swap3A_2], %get3A_1 {strides = array<i32>} : memref<16x100000xf32, #tpu.memory_space<vmem>>, vector<16x100000xf32>,
    return
  }
  func.func @transform_0(%arg0: i32) -> (i32, i32) {
    %c0_i32 = arith.constant 0 : i32
    %c0_i32_0 = arith.constant 0 : i32
    return %arg0, %c0_i32 : i32, i32
  }
  func.func @transform_1(%arg0: i32) -> (i32, i32) {
    %c0_i32 = arith.constant 0 : i32
    %c0_i32_0 = arith.constant 0 : i32
    return %arg0, %c0_i32 : i32, i32
  }
}

</mosaic_0001>

<sc_bundles>
// kernel: kernel.4.cloned.1.call-start
scs
__scs_entry_jumppad:
0x0: {  	(pc) =	sbr.rel $0x88, $3  }
0x1: {  	(tag) =	ssettag $0x0;
	lr =	simm.s32 $0x1  }
0x2: {  	[smem:$0x3FA0] =	sst lr;
	_ =	strace $0xD0000000  }
0x3: {  	_ = 	snop  }
0x4: {  	_ = 	snop  }
0x5: {  	_ = 	snop  }
0x6: {  	_ = 	snop  }
0x7: {  	_ = 	snop  }
__scs_overlays_trampoline_lowered:
0x8: {  	[smem:$0x3FAF] =	sst s0  }
0x9: {  	[smem:$0x3FB0] =	sst s1  }
0xa: {  	[smem:$0x3FB1] =	sst s2  }
0xb: {  	[smem:$0x3FB2] =	sst s3  }
0xc: {  	[smem:$0x3FB3] =	sst s4  }
0xd: {  	[smem:$0x3FB4] =	sst s5  }
0xe: {  	[smem:$0x3FB5] =	sst s6  }
0xf: {  	[smem:$0x3FB6] =	sst s7  }
0x10: {  	[smem:$0x3FB7] =	sst s8  }
0x11: {  	[smem:$0x3FB8] =	sst s9;
	s0 =	simm.s32 @!p0 $0x0  }
0x12: {  	s1 =	sld [smem:$0x3F9E];
	s0 =	simm.s32 @p0 $0x1  }
0x13: {  	[smem:$0x3FB9] =	sst s0;
	s0 =	simm.s32 @!p1 $0x0  }
0x14: {  	s2 =	sld [smem:$0x3F9D];
	s0 =	simm.s32 @p1 $0x1  }
0x15: {  	[smem:$0x3FBA] =	sst s0;
	s0 =	simm.s32 @!p2 $0x0  }
0x16: {  	s3 =	sld [smem:$0x3FDB];
	s0 =	simm.s32 @p2 $0x1  }
0x17: {  	s4 =	simm.s32 $0x1BF5;
	[smem:$0x3FBC] =	sst s0  }
0x18: {  	s0 =	sld [smem:$0x3F9F];
	_ =	swait.ge [sflag:s4], $0x0  }
0x19: {  	s7 =	sld [smem:$0x3FA0]  }
0x1a: {  	s8 =	sadd.s32 $0xFFFFE003, lr  }
0x1b: {  	s9 =	sadd.s32 $0xFFFFFEF7, lr;
	s5 =	simm.s32 $0xFFFFFFFF;
	p2 =	slt.u32 s8, $0xFFFFF086  }
0x1c: {  	p1 =	slt.u32 s9, $0xF7A;
	s5 =	simm.s32 @!p2 $0x0  }
0x1d: {  	s5 =	simm.s32 @p1 $0x1;
	p0 =	seq.s32 s7, s2  }
0x1e: {  	s7 =	smul.u32 @!p0 $0xF7A, s2;
	p2 =	seq.s32 @!p0 s5, $0x0  }
0x1f: {  	s9 =	smul.u32 $0xF7A, s1;
	s8 =	simm.s32 @!p0 $0x1BF5;
	p2 =	por !p2, p0  }
0x20: {  	[sflag:s8] =	ssyncset.s32 @!p0 $0xFFFFF086;
	s6 =	sadd.s32 @!p0 s3, s7;
	s7 =	simm.s32 @!p0 $0x108  }
0x21: {  	s3 =	sadd.s32 s3, s9;
	s6 =	sadd.s32 @!p0 $0x88, s6;
	s7 =	simm.s32 @p2 $0x1082  }
0x22: {  	[simem:s7], [sflag:s8] =	dma.local @!p0 [hbm:s6], $0xF7A  }
0x23: {  	s9 =	sor.u32 $0xD0000000, s2;
	s6 =	simm.s32 $0x108;
	_ =	swait.ge @!p0 [sflag:s8], $0x0  }
0x24: {  	s3 =	sadd.s32 $0x88, s3;
	s6 =	simm.s32 @!p1 $0x1082;
	[sflag:s4] =	ssyncset.s32 $0xFFFFF086  }
0x25: {  	[simem:s6], [sflag:s4] =	dma.local [hbm:s3], $0xF7A  }
0x26: {  	[smem:$0x3FA0] =	sst s1;
	(tag) =	ssettag s2;
	_ =	strace s9  }
0x27: {  	s1 =	sld [smem:$0x3FB0]  }
0x28: {  	s2 =	sld [smem:$0x3FB1]  }
0x29: {  	s4 =	sld [smem:$0x3FB3]  }
0x2a: {  	p0 =	seq.s32 s5, $0x0;
	s5 =	sld [smem:$0x3FB4]  }
0x2b: {  	s6 =	sld [smem:$0x3FB5]  }
0x2c: {  	s7 =	sld [smem:$0x3FB6]  }
0x2d: {  	s3 =	simm.s32 $0x108;
	s8 =	sld [smem:$0x3FB7]  }
0x2e: {  	s3 =	simm.s32 @!p0 $0x1082;
	s9 =	sld [smem:$0x3FB8]  }
0x2f: {  	lr =	sadd.s32 s0, s3;
	s0 =	sld [smem:$0x3FAF]  }
0x30: {  	s3 =	sld [smem:$0x3FB2]  }
0x31: {  	[smem:$0x3FBB] =	sst s10  }
0x32: {  	s10 =	sld [smem:$0x3FB9];
	_ =	sdelay $0x3  }
0x33: {  	p0 =	seq.s32 s10, $0x1;
	s10 =	sld [smem:$0x3FBB];
	_ =	sdelay $0x3  }
0x34: {  	[smem:$0x3FBB] =	sst s10  }
0x35: {  	s10 =	sld [smem:$0x3FBA];
	_ =	sdelay $0x3  }
0x36: {  	p1 =	seq.s32 s10, $0x1;
	s10 =	sld [smem:$0x3FBB];
	_ =	sdelay $0x3  }
0x37: {  	[smem:$0x3FBB] =	sst s10  }
0x38: {  	s10 =	sld [smem:$0x3FBC]  }
0x39: {  	_ = 	snop;
	(pc) =	sbr.ind lr, $3  }
0x3a: {  	_ = 	snop  }
0x3b: {  	_ = 	snop  }
0x3c: {  	p2 =	seq.s32 s10, $0x1;
	s10 =	sld [smem:$0x3FBB]  }
0x3d: {  	_ =	shalt  }
0x3e: {  	_ =	shalt  }
0x3f: {  	_ =	shalt  }
0x40: {  	_ =	shalt  }
0x41: {  	_ =	shalt  }
0x42: {  	_ =	shalt  }
0x43: {  	_ =	shalt  }
0x44: {  	_ =	shalt  }
0x45: {  	_ =	shalt  }
0x46: {  	_ =	shalt  }
0x47: {  	_ =	shalt  }
0x48: {  	_ =	shalt  }
0x49: {  	_ =	shalt  }
0x4a: {  	_ =	shalt  }
0x4b: {  	_ =	shalt  }
0x4c: {  	_ =	shalt  }
0x4d: {  	_ =	shalt  }
0x4e: {  	_ =	shalt  }
0x4f: {  	_ =	shalt  }
0x50: {  	_ =	shalt  }
0x51: {  	_ =	shalt  }
0x52: {  	_ =	shalt  }
0x53: {  	_ =	shalt  }
0x54: {  	_ =	shalt  }
0x55: {  	_ =	shalt  }
0x56: {  	_ =	shalt  }
0x57: {  	_ =	shalt  }
0x58: {  	_ =	shalt  }
0x59: {  	_ =	shalt  }
0x5a: {  	_ =	shalt  }
0x5b: {  	_ =	shalt  }
0x5c: {  	_ =	shalt  }
0x5d: {  	_ =	shalt  }
0x5e: {  	_ =	shalt  }
0x5f: {  	_ =	shalt  }
0x60: {  	_ =	shalt  }
0x61: {  	_ =	shalt  }
0x62: {  	_ =	shalt  }
0x63: {  	_ =	shalt  }
0x64: {  	_ =	shalt  }
0x65: {  	_ =	shalt  }
0x66: {  	_ =	shalt  }
0x67: {  	_ =	shalt  }
0x68: {  	_ =	shalt  }
0x69: {  	_ =	shalt  }
0x6a: {  	_ =	shalt  }
0x6b: {  	_ =	shalt  }
0x6c: {  	_ =	shalt  }
0x6d: {  	_ =	shalt  }
0x6e: {  	_ =	shalt  }
0x6f: {  	_ =	shalt  }
0x70: {  	_ =	shalt  }
0x71: {  	_ =	shalt  }
0x72: {  	_ =	shalt  }
0x73: {  	_ =	shalt  }
0x74: {  	_ =	shalt  }
0x75: {  	_ =	shalt  }
0x76: {  	_ =	shalt  }
0x77: {  	_ =	shalt  }
0x78: {  	_ =	shalt  }
0x79: {  	_ =	shalt  }
0x7a: {  	_ =	shalt  }
0x7b: {  	_ =	shalt  }
0x7c: {  	_ =	shalt  }
0x7d: {  	_ =	shalt  }
0x7e: {  	_ =	shalt  }
0x7f: {  	_ =	shalt  }
0x80: {  	_ =	shalt  }
0x81: {  	_ =	shalt  }
0x82: {  	_ =	shalt  }
0x83: {  	_ =	shalt  }
0x84: {  	_ =	shalt  }
0x85: {  	_ =	shalt  }
0x86: {  	_ =	shalt  }
0x87: {  	_ =	shalt  }
.Lfunc_end0:
.L_simem_size_0:
called_computation.1_lowered:
.L_overlay_start_0:
0x88: {  	s2 =	sld [smem:$0x3FD9]  }
0x89: {  	s3 =	sld [smem:$0x3FFE];
	_ =	sdelay $0x1  }
0x8a: {  	s1 =	srdreg.scid  }
0x8b: {  	s0 =	sand.u32 $0x1, s1  }
0x8c: {  	s16 =	sshll.u32 s0, $0xA;
	s2 =	sadd.s32 s3, s2  }
0x8d: {  	s2 =	sadd.s32 s2, s16  }
0x8e: {  	[smem:$0x3FC7] =	sst s2  }
0x8f: {  	_ = 	snop  }
0x90: {  	(tm) =	ssettm $0x1  }
0x91: {  	s17 =	sld [smem:$0x3FFB];
	_ =	sdelay $0x3  }
0x92: {  	_ =	strace s17  }
0x93: {  	s2 =	sld [smem:$0x3FFC];
	_ =	sdelay $0x3  }
0x94: {  	_ =	strace s2  }
0x95: {  	s2 =	sld [smem:$0x3FFD];
	_ =	sdelay $0x3  }
0x96: {  	_ =	strace s2  }
0x97: {  	_ =	strace $0x8FFFFFFF  }
0x98: {  	s18 =	sld [smem:$0x3FDB];
	_ =	sdelay $0x1  }
0x99: {  	s19 =	simm.s32 $_scs_section_size  }
0x9a: {  	s4 =	simm.s32 $_size__tile_overlayer_lowered;
	s5 =	simm.s32 $_tile_overlayer_lowered  }
0x9b: {  	s22 =	simm.s32 $0x1BFF;
	s21 =	sshll.u32 s5, $0x1;
	s2 =	sadd.s32 s19, s18  }
0x9c: {  	s6 =	simm.s32 $0x0;
	s20 =	sshll.u32 s4, $0x1;
	s4 =	sadd.s32 s21, s2  }
0x9d: {  	[timem:s6], [sflag:s22] =	dma.local [hbm:s4], s20  }
0x9e: {  	_ =	swait.ge [sflag:s22], s20  }
0x9f: {  	s3 =	ssub.s32 $0x0, s20;
	[sflag:s22] =	ssyncset.done $0x0  }
0xa0: {  	[sflag:s22] =	ssyncadd.s32 s3;
	_ =	sdelay $0x1  }
0xa1: {  	s23 =	simm.s32 $0x1B8B  }
0xa2: {  	_ =	swait.ge [sflag:s23], $0x1  }
0xa3: {  	[sflag:s23] =	ssyncset.done $0x0  }
0xa4: {  	s25 =	simm.s32 $0x1B8E;
	s24 =	sld [smem:$0x3FFE];
	[sflag:s23] =	ssyncadd.s32 $0xFFFFFFFF  }
0xa5: {  	s26 =	simm.s32 $execute0_lowered;
	[smem:$0x3FD2] =	sst s25  }
0xa6: {  	s4 =	sshll.u32 s26, $0x1;
	_ =	strace $0x80000046;
	[dreg:$0x1] =	wrdreg $0xFFFFFFFF  }
0xa7: {  	s28 =	simm.s32 $_size_execute0_lowered;
	s2 =	sadd.s32 s2, s4;
	[dreg:$0x0] =	wrdreg $0x0  }
0xa8: {  	s4 =	sshll.u32 s28, $0x1;
	[dreg:$0x2] =	wrdreg s2  }
0xa9: {  	[dreg:$0x3] =	wrdreg s4  }
0xaa: {  	[dreg:$0x4] =	wrdreg $0xC0  }
0xab: {  	_ =	task [dreg:s6], $0x5FFFF  }
0xac: {  	[dreg:$0x1] =	wrdreg $0xFFFFFFFF  }
0xad: {  	[dreg:$0x0] =	wrdreg $0x60  }
0xae: {  	[dreg:$0x2] =	wrdreg s24  }
0xaf: {  	[dreg:$0x3] =	wrdreg $0x9  }
0xb0: {  	_ =	task.clear_ibuf [dreg:s6], $0x4FFFF;
	_ =	strace $0x90000046  }
0xb1: {  	s29 =	simm.s32 $0x9;
	_ =	strace $0x80000048  }
0xb2: {  	_ =	swait.ge [sflag:s29], $0x1  }
0xb3: {  	[sflag:s29] =	ssyncadd.s32 $0xFFFFFFFF  }
0xb4: {  	_ =	strace $0x90000048  }
0xb5: {  	_ =	sfence  }
0xb6: {  	s30 =	sld [smem:$0x0];
	_ =	sdelay $0x2  }
0xb7: {  	s31 =	sshll.u32 s1, $0xD;
	s1 =	sshrl.u32 s1, $0x2  }
0xb8: {  	s3 =	sand.u32 $0x4000, s31;
	s1 =	sadd.s32 s1, s30  }
0xb9: {  	s0 =	sor.u32 s3, s0;
	s1 =	sshll.u32 s1, $0x11  }
0xba: {  	s0 =	sor.u32 s1, s0  }
0xbb: {  	s0 =	sadd.s32 $0x8F2B, s0  }
0xbc: {  	[sflag:s0] =	ssyncadd.remote.s32 $0x1  }
0xbd: {  	_ =	sfence.sel $0xFFFF  }
0xbe: {  	[dreg:$0x0] =	wrdreg $0xFFFFFFFF;
	(pc) =	sbr.abs _section_cstart, $3  }
0xbf: {  	[dreg:$0x1] =	wrdreg $0xFFFFFFFF  }
0xc0: {  	_ =	task.clear_ibuf [dreg:s6], $0x2FFFF;
	_ =	strace $0x9FFFFFFF  }
0xc1: {  	(tm) =	ssettm $0x7FFFFFFF  }
tec
execute0_lowered:
.L_overlay_start_1:
0x0: {  	(tag) =	ssettag $0x1  }
0x1: {  	s1 =	srdreg.scid  }
0x2: {  	s0 =	stileid.u32;
	s8 =	rddreg [dreg:$0x0];
	s6 =	simm.s32 $0x400  }
0x3: {  	s3 =	sand.u32 $0x1, s1;
	s29 =	sshrl.u32 s0, $0x2;
	s2 =	sshll.u32 s0, $0x8  }
0x4: {  	s1 =	smul.u32 $0xC3800, s29;
	s4 =	sshll.u32 s3, $0x7;
	s2 =	sand.u32 $0x300, s2  }
0x5: {  	s5 =	simm.s32 $0x1;
	s9 =	ssub.s32 $0x2, s3;
	s2 =	sor.u32 s4, s2  }
0x6: {  	s10 =	sshrl.u32 s9, $0x1;
	s7 =	sor.u32 s1, s2;
	s1 =	rddreg [dreg:$0x1]  }
0x7: {  	s2 =	simm.s32 $0x0;
	s31 =	ssub.s32 s9, s10;
	s30 =	sadd.s32 $0x92A000, s7  }
0x8: {  	[smem:$0x7FF] =	sst s2;
	s7 =	sshrl.u32 s7, $0x3;
	s4 =	sshrl.u32 s30, $0x3  }
0x9: {  	_ =	strace $0x80000047;
	s7 =	sadd.s32 s7, s8;
	s4 =	sadd.s32 s4, s8  }
0xa: {  	s8 =	smax.u32 s31, $0x1;
	s3 =	sadd.s32 $0x800, s4;
	s4 =	simm.s32 $0x80  }
0xb: {  	[tilespmem:s2], [sflag:$0x1] =	stream.strided.gather [hbm4b:s3+s4], $0x18700, s6, s4, $0x38;
	[tilespmem:$0x18700] =	vst v63  }
0xc: {  	p0 =	sne.s32 s8, $0x1;
	_ =	swait.ge [sflag:s5], $0x18700  }
.Ltmp0:
0xd: {  	[sflag:s5] =	ssyncset.done $0x0;
	(pc) =	sbr.rel @!p0 .LBB2_2-.Ltmp0, $4  }
0xe: {  	s7 =	sadd.s32 $0x187800, s7;
	[sflag:s5] =	ssyncadd.s32 $0xFFFE7900  }
0xf: {  	[hbm4b:s7+s4] =	stream.strided.scatter [tilespmem:s2], [sflag:$0x1], $0x18700, s6, s4, $0x38;
	[tilespmem:$0x18700] =	vst v63  }
0x10: {  	_ =	swait.ge [sflag:s5], $0x18700  }
0x11: {  	s8 =	sadd.s32 $0xFFFFFFFF, s8;
	[sflag:s5] =	ssyncset.done $0x0  }
.LBB2_1:
0x12: {  	p0 =	sne.s32 s8, $0x1;
	s8 =	sadd.s32 $0xFFFFFFFF, s8;
	[sflag:s5] =	ssyncadd.s32 $0xFFFE7900  }
0x13: {  	[tilespmem:s2], [sflag:$0x1] =	stream.strided.gather [hbm4b:s3+s4], $0x18700, s6, s4, $0x38;
	[tilespmem:$0x18700] =	vst v63  }
0x14: {  	_ =	swait.ge [sflag:s5], $0x18700  }
.Ltmp1:
0x15: {  	[sflag:s5] =	ssyncset.done $0x0;
	(pc) =	sbr.rel @p0 .LBB2_1-.Ltmp1, $4  }
0x16: {  	[sflag:s5] =	ssyncadd.s32 $0xFFFE7900  }
0x17: {  	[hbm4b:s7+s4] =	stream.strided.scatter [tilespmem:s2], [sflag:$0x1], $0x18700, s6, s4, $0x38;
	[tilespmem:$0x18700] =	vst v63  }
0x18: {  	_ =	swait.ge [sflag:s5], $0x18700  }
0x19: {  	[sflag:s5] =	ssyncset.done $0x0  }
.LBB2_2:
0x1a: {  	[sflag:s5] =	ssyncadd.s32 $0xFFFE7900  }
0x1b: {  	_ =	sfence.sel $0x180000  }
0x1c: {  	[bflag:$0x0] =	sbarrier.arrive $0xFFFF  }
0x1d: {  	p0 =	sne.s32 s0, $0x0;
	_ =	strace $0x90000047  }
0x1e: {  	s0 =	sadd.s32 @!p0 $0x100000, s1;
	[bflag:$0x2] =	sbarrier.arrive $0xFFFF  }
0x1f: {  	[sflag:s0] =	ssyncadd.tile.s32 @!p0 $0x1;
	_ =	shalt  }
.Lfunc_end2:
_tile_overlayer_lowered:
.L_overlay_start_2:
0x20: {  	(tag) =	ssettag $0x2  }
0x21: {  	s0 =	rddreg [dreg:$0x0];
	s2 =	stileid.u32  }
0x22: {  	s1 =	rddreg [dreg:$0x1];
	p0 =	sne.s32 s2, $0x0  }
0x23: {  	s3 =	rddreg [dreg:$0x2];
	[bflag:$0x3] =	sbarrier.arrive $0xFFFF;
	s2 =	simm.s32 @!p0 $0x1C01  }
0x24: {  	[timem:s3], [sflag:s2] =	dma.local @!p0 [hbm:s0], s1  }
0x25: {  	s0 =	simm.s32 @!p0 $0x1  }
0x26: {  	_ =	swait.ge @!p0 [sflag:s0], s1  }
0x27: {  	s1 =	ssub.s32 @!p0 $0x0, s1;
	[sflag:s0] =	ssyncset.done @!p0 $0x0  }
0x28: {  	[sflag:s0] =	ssyncadd.s32 @!p0 s1  }
0x29: {  	[bflag:$0x3] =	sbarrier.arrive $0xFFFF  }
0x2a: {  	_ =	shalt  }

// kernel: sparse-core-data-format-call.cloned.1.call-start
scs
called_computation_lowered:
.L_overlay_start_0:
0x0: {  	s2 =	sld [smem:$0x3FD9]  }
0x1: {  	s3 =	sld [smem:$0x3FFE];
	_ =	sdelay $0x1  }
0x2: {  	s1 =	srdreg.scid  }
0x3: {  	s0 =	sand.u32 $0x1, s1  }
0x4: {  	s18 =	sshll.u32 s0, $0xA;
	s2 =	sadd.s32 s3, s2  }
0x5: {  	s2 =	sadd.s32 s2, s18  }
0x6: {  	[smem:$0x3FC7] =	sst s2  }
0x7: {  	_ = 	snop  }
0x8: {  	s2 =	sld [smem:$0x3FD0];
	(tm) =	ssettm $0x1  }
0x9: {  	s19 =	sld [smem:$0x3FFB];
	_ =	sdelay $0x3  }
0xa: {  	_ =	strace s19  }
0xb: {  	s3 =	sld [smem:$0x3FFC];
	_ =	sdelay $0x3  }
0xc: {  	_ =	strace s3  }
0xd: {  	s3 =	sld [smem:$0x3FFD];
	_ =	sdelay $0x3  }
0xe: {  	_ =	strace s3  }
0xf: {  	_ =	strace $0x8FFFFFFF  }
0x10: {  	s20 =	sld [smem:$0x3FDB];
	_ =	sdelay $0x1  }
0x11: {  	s4 =	simm.s32 $_scs_section_size  }
0x12: {  	s5 =	simm.s32 $_size__tile_overlayer_lowered;
	s6 =	simm.s32 $_tile_overlayer_lowered  }
0x13: {  	s23 =	simm.s32 $0x1BFF;
	s22 =	sshll.u32 s6, $0x1;
	s3 =	sadd.s32 s4, s20  }
0x14: {  	s7 =	simm.s32 $0x0;
	s21 =	sshll.u32 s5, $0x1;
	s5 =	sadd.s32 s22, s3  }
0x15: {  	[timem:s7], [sflag:s23] =	dma.local [hbm:s5], s21  }
0x16: {  	_ =	swait.ge [sflag:s23], s21  }
0x17: {  	s4 =	ssub.s32 $0x0, s21;
	[sflag:s23] =	ssyncset.done $0x0  }
0x18: {  	[sflag:s23] =	ssyncadd.s32 s4;
	_ =	sdelay $0x1  }
0x19: {  	s24 =	simm.s32 $0x1B8B  }
0x1a: {  	_ =	swait.ge [sflag:s24], $0x1  }
0x1b: {  	[sflag:s24] =	ssyncset.done $0x0  }
0x1c: {  	s26 =	simm.s32 $0x1B8E;
	s25 =	sld [smem:$0x3FFE];
	[sflag:s24] =	ssyncadd.s32 $0xFFFFFFFF  }
0x1d: {  	s27 =	simm.s32 $execute0_lowered;
	[smem:$0x3FD2] =	sst s26  }
0x1e: {  	s5 =	sshll.u32 s27, $0x1;
	_ =	strace $0x80000049;
	[dreg:$0x1] =	wrdreg $0xFFFFFFFF  }
0x1f: {  	s28 =	simm.s32 $_size_execute0_lowered;
	s3 =	sadd.s32 s3, s5;
	[dreg:$0x0] =	wrdreg $0x0  }
0x20: {  	s5 =	sshll.u32 s28, $0x1;
	[dreg:$0x2] =	wrdreg s3  }
0x21: {  	[dreg:$0x3] =	wrdreg s5  }
0x22: {  	[dreg:$0x4] =	wrdreg $0xC0  }
0x23: {  	_ =	task [dreg:s7], $0x5FFFF  }
0x24: {  	[dreg:$0x1] =	wrdreg $0xFFFFFFFF  }
0x25: {  	[dreg:$0x0] =	wrdreg $0x60  }
0x26: {  	[dreg:$0x2] =	wrdreg s25  }
0x27: {  	[dreg:$0x3] =	wrdreg s2  }
0x28: {  	[dreg:$0x4] =	wrdreg $0x9  }
0x29: {  	_ =	task.clear_ibuf [dreg:s7], $0x5FFFF;
	_ =	strace $0x90000049  }
0x2a: {  	s29 =	simm.s32 $0x9;
	_ =	strace $0x8000004B  }
0x2b: {  	_ =	swait.ge [sflag:s29], $0x1  }
0x2c: {  	[sflag:s29] =	ssyncadd.s32 $0xFFFFFFFF  }
0x2d: {  	_ =	strace $0x9000004B  }
0x2e: {  	_ =	sfence  }
0x2f: {  	s30 =	sld [smem:$0x0];
	_ =	sdelay $0x2  }
0x30: {  	s31 =	sshll.u32 s1, $0xD;
	s1 =	sshrl.u32 s1, $0x2  }
0x31: {  	s3 =	sand.u32 $0x4000, s31;
	s1 =	sadd.s32 s1, s30  }
0x32: {  	s0 =	sor.u32 s3, s0;
	s1 =	sshll.u32 s1, $0x11  }
0x33: {  	s0 =	sor.u32 s1, s0  }
0x34: {  	s0 =	sadd.s32 $0x8F2B, s0  }
0x35: {  	[sflag:s0] =	ssyncadd.remote.s32 $0x1  }
0x36: {  	_ =	sfence.sel $0xFFFF  }
0x37: {  	[dreg:$0x0] =	wrdreg $0xFFFFFFFF;
	(pc) =	sbr.abs _section_cstart, $3  }
0x38: {  	[dreg:$0x1] =	wrdreg $0xFFFFFFFF  }
0x39: {  	_ =	task.clear_ibuf [dreg:s7], $0x2FFFF;
	_ =	strace $0x9FFFFFFF  }
0x3a: {  	(tm) =	ssettm $0x7FFFFFFF  }
0x3b: {  	_ =	shalt  }
tec
execute0_lowered:
.L_overlay_start_1:
0x0: {  	(tag) =	ssettag $0x1  }
0x1: {  	s4 =	rddreg [dreg:$0x0]  }
0x2: {  	s0 =	srdreg.scid;
	s2 =	rddreg [dreg:$0x1]  }
0x3: {  	s1 =	stileid.u32;
	s5 =	simm.s32 $0x1;
	s7 =	simm.s32 $0x2  }
0x4: {  	s14 =	simm.s32 $0x0;
	p0 =	por $0x0, $0x0;
	s0 =	sshll.u32 s0, $0x4  }
0x5: {  	s13 =	simm.s32 $0x0;
	s8 =	simm.s32 $0x0;
	s3 =	sand.u32 $0x10, s0  }
.Ltmp0:
0x6: {  	s9 =	simm.s32 $0x0;
	s3 =	sor.u32 s1, s3;
	(pc) =	sbr.rel .LBB1_1-.Ltmp0, $4  }
0x7: {  	s11 =	simm.s32 $0x0;
	s12 =	simm.s32 $0x0;
	s3 =	sshll.u32 s3, $0x7  }
0x8: {  	s0 =	rddreg [dreg:$0x2];
	_ =	strace $0x8000004A;
	s6 =	ssub.s32 $0x18680, s3  }
0x9: {  	s4 =	sadd.s32 $0x800, s4;
	[sflag:s5] =	ssyncpa.u1 $0x0;
	s6 =	sshrl.u32 s6, $0xC  }
0xa: {  	[sflag:s7] =	ssyncpa.u1 $0x0;
	s10 =	smov.u32 s3;
	s7 =	sadd.s32 $0x2, s6  }
.LBB1_5:
0xb: {  	p1 =	slt.u32 s12, $0x2  }
0xc: {  	p2 =	sgt.s32 @!p1 s14, $0x18620  }
0xd: {  	s15 =	smov.u32 s14;
	s16 =	sshra.s32 @!p1 s14, $0x1F;
	p2 =	por !p2, p1  }
0xe: {  	s14 =	sand.u32 @!p1 s16, s14;
	s15 =	simm.s32 @p2 $0x18620  }
0xf: {  	s14 =	ssub.s32 @!p1 s15, s14;
	s15 =	ssub.s32 @!p1 $0x0, s13  }
0x10: {  	s17 =	smov.u32 s11;
	s16 =	sadd.s32 @!p1 $0xFFFE79E0, s14;
	s13 =	smin.u32 @!p1 s13, s15  }
0x11: {  	s14 =	ssub.s32 @!p1 $0x186A0, s14;
	p2 =	sgt.s32 @!p1 s16, $0x7F;
	p3 =	sgt.s32 @!p1 s13, $0x7F  }
0x12: {  	s13 =	ssub.s32 @!p1 $0x80, s13;
	p2 =	por !p2, p1;
	p3 =	por !p3, p1  }
0x13: {  	s15 =	sadd.s32 $0x1000, s10;
	s14 =	simm.s32 @!p2 $0x0;
	s13 =	simm.s32 @!p3 $0x0  }
0x14: {  	p2 =	sgt.s32 s15, $0x1869F;
	s13 =	smul.u32 @!p1 s13, s14;
	s14 =	sadd.s32 $0x80, s11  }
0x15: {  	s17 =	smov.u32 @p2 s14  }
0x16: {  	s15 =	smov.u32 @p2 s3;
	p2 =	sgt.s32 s17, $0x7F  }
0x17: {  	s17 =	simm.s32 @p2 $0x0;
	p2 =	sne.s32 s12, s7  }
.Ltmp1:
0x18: {  	p0 =	por !p0, !p0;
	s16 =	simm.s32 @!p1 $0x2;
	(pc) =	sbr.rel @!p2 .LBB1_6-.Ltmp1, $4  }
0x19: {  	s14 =	smov.u32 s8;
	s8 =	smov.u32 s10;
	s13 =	sand.u32 @!p1 $0x3FFFFFFF, s13  }
0x1a: {  	s10 =	smov.u32 s15;
	_ =	swait.ge @!p1 [sflag:s16], s13;
	s18 =	ssub.s32 @!p1 $0x0, s13  }
0x1b: {  	s13 =	smov.u32 s9;
	s12 =	sadd.s32 $0x1, s12;
	[sflag:s16] =	ssyncset.done @!p1 $0x0  }
0x1c: {  	s9 =	smov.u32 s11;
	s11 =	smov.u32 s17;
	[sflag:s16] =	ssyncadd.s32 @!p1 s18  }
.LBB1_1:
0x1d: {  	p1 =	sgt.u32 s12, s6  }
0x1e: {  	s15 =	sshrl.u32 @!p1 s11, $0x3  }
0x1f: {  	s16 =	sshll.u32 @!p1 s10, $0x3;
	s15 =	smul.u32 @!p1 $0xC3800, s15  }
0x20: {  	s17 =	sshll.u32 @!p1 s11, $0x7;
	s16 =	sand.u32 @!p1 $0xFFFFFC00, s16  }
0x21: {  	s15 =	sadd.s32 @!p1 s15, s16;
	s16 =	sand.u32 @!p1 $0x380, s17  }
0x22: {  	s17 =	sand.u32 @!p1 $0x7F, s10;
	s15 =	sor.u32 @!p1 s16, s15  }
0x23: {  	s16 =	sor.u32 @!p1 s17, s15  }
0x24: {  	s17 =	smulhi.u32 @!p1 $0xA79C7B17, s16;
	_ =	sdelay $0x1  }
0x25: {  	s15 =	smulhi.u32 @!p1 $0xA79C7B17, s15;
	s17 =	sshrl.u32 @!p1 s17, $0x10  }
0x26: {  	s17 =	smul.u32 @!p1 $0x18700, s17  }
0x27: {  	s18 =	sxor.u32 @!p1 $0xFFFFFFFF, s12;
	s15 =	sshrl.u32 @!p1 s15, $0x10  }
0x28: {  	s18 =	sshll.u32 @!p1 s18, $0xE;
	s15 =	sand.u32 @!p1 $0x7F, s15;
	s16 =	ssub.s32 @!p1 s16, s17  }
0x29: {  	s15 =	smul.u32 @!p1 $0x30E0, s15;
	s17 =	sshrl.u32 @!p1 s16, $0x3;
	s16 =	sand.u32 @!p1 $0x7, s16  }
0x2a: {  	s18 =	sand.u32 @!p1 $0x4000, s18;
	s17 =	sadd.s32 @!p1 s4, s17;
	s16 =	sshll.u32 @!p1 s16, $0x12  }
0x2b: {  	s15 =	sadd.s32 @!p1 s15, s17;
	s16 =	sor.u32 @!p1 $0x400, s16;
	s17 =	simm.s32 @!p1 $0xC3800  }
0x2c: {  	[tilespmem:s18], [sflag:$0x1] =	stream.strided.gather @!p1 [hbm4b:s15+s16], $0x4000, s17, s16, $0x38;
	[tilespmem:$0x10100] =	vst v63  }
0x2d: {  	p1 =	seq.s32 s12, $0x0  }
0x2e: {  	p2 =	sge.u32 @!p1 s12, s7  }
0x2f: {  	p1 =	por p1, p2  }
.Ltmp2:
0x30: {  	_ = 	snop;
	(pc) =	sbr.rel @p1 .LBB1_5-.Ltmp2, $1  }
0x31: {  	_ =	sdelay $0x3  }
0x32: {  	s15 =	simm.s32 $0x1  }
0x33: {  	_ =	swait.ge [sflag:s5], $0x4000;
	s15 =	simm.s32 @!p0 $0x0  }
0x34: {  	[sflag:s5] =	ssyncset.done $0x0;
	s16 =	sshll.u32 s15, $0xE  }
0x35: {  	[sflag:s5] =	ssyncadd.s32 $0xFFFFC000;
	s16 =	sor.u32 $0x40, s16  }
0x36: {  	s15 =	smul.u32 $0x10200, s15;
	v0 =	vld [tilespmem:s16+$0x30]  }
0x37: {  	v1 =	vld [tilespmem:s16+$0xFFFFFFD0]  }
0x38: {  	s15 =	sshrl.u32 s15, $0x2;
	v5 =	vld [tilespmem:s16+$0xFFFFFFE0]  }
0x39: {  	v6 =	vld [tilespmem:s16+$0xFFFFFFF0];
	s18 =	sor.u32 $0x8000, s15  }
0x3a: {  	s31 =	sand.u32 $0x1, s12;
	v4 =	vld [tilespmem:s16+$0x0];
	s17 =	sadd.s32 $0x0, s18  }
0x3b: {  	v3 =	vld [tilespmem:s16+$0x10];
	s15 =	smul.u32 $0x10200, s31;
	[tilespmem:s17+$0x3870 ss:$0x81] =	vst.msk $0xffff, v0  }
0x3c: {  	v2 =	vld [tilespmem:s16+$0x20];
	[tilespmem:s17+$0x810 ss:$0x81] =	vst.msk $0xffff, v1  }
0x3d: {  	s15 =	sshrl.u32 s15, $0x2;
	v0 =	vld [tilespmem:s16+$0xFFFFFFC0];
	[tilespmem:s17+$0x1020 ss:$0x81] =	vst.msk $0xffff, v5;
	s16 =	sadd.s32 $0x80, s16  }
0x3e: {  	s19 =	simm.s32 $0x4;
	s20 =	simm.s32 $0x8;
	s15 =	sor.u32 $0x8000, s15;
	[tilespmem:s17+$0x1830 ss:$0x81] =	vst.msk $0xffff, v6;
	v1 =	vld [tilespmem:s16+$0x30]  }
.LBB1_3:
0x3f: {  	p1 =	sne.s32 s20, $0x1FC;
	v5 =	vld [tilespmem:s16+$0xFFFFFFD0];
	[tilespmem:s17+$0x2040 ss:$0x81] =	vst.msk $0xffff, v4  }
0x40: {  	v6 =	vld [tilespmem:s16+$0xFFFFFFE0];
	[tilespmem:s17+$0x2850 ss:$0x81] =	vst.msk $0xffff, v3  }
0x41: {  	s21 =	sshra.s32 s19, $0x2;
	s19 =	smov.u32 s20;
	v7 =	vld [tilespmem:s16+$0xFFFFFFF0];
	[tilespmem:s17+$0x3060 ss:$0x81] =	vst.msk $0xffff, v2  }
.Ltmp3:
0x42: {  	v4 =	vld [tilespmem:s16+$0x0];
	[tilespmem:s17+$0x0 ss:$0x81] =	vst.msk $0xffff, v0;
	s17 =	sadd.s32 s21, s18;
	(pc) =	sbr.rel @p1 .LBB1_3-.Ltmp3, $4  }
0x43: {  	v3 =	vld [tilespmem:s16+$0x10];
	[tilespmem:s17+$0x3870 ss:$0x81] =	vst.msk $0xffff, v1  }
0x44: {  	[tilespmem:s17+$0x810 ss:$0x81] =	vst.msk $0xffff, v5;
	v2 =	vld [tilespmem:s16+$0x20]  }
0x45: {  	v0 =	vld [tilespmem:s16+$0xFFFFFFC0];
	[tilespmem:s17+$0x1020 ss:$0x81] =	vst.msk $0xffff, v6;
	s16 =	sadd.s32 $0x80, s16  }
0x46: {  	s20 =	sadd.s32 $0x4, s20;
	v1 =	vld [tilespmem:s16+$0x30];
	[tilespmem:s17+$0x1830 ss:$0x81] =	vst.msk $0xffff, v7  }
0x47: {  	s20 =	sshll.u32 s8, $0x7;
	s21 =	sshll.u32 s9, $0x3;
	s19 =	sshra.s32 s19, $0x2  }
0x48: {  	v5 =	vld [tilespmem:s16+$0xFFFFFFD0];
	[tilespmem:s17+$0x2040 ss:$0x81] =	vst.msk $0xffff, v4;
	p1 =	sgt.s32 s8, $0x18620;
	s22 =	sand.u32 $0xFFFFFC00, s20;
	s21 =	sand.u32 $0xFFFFFC00, s21  }
0x49: {  	v58 =	vld [tilespmem:s16+$0xFFFFFFE0];
	s24 =	sshra.s32 s8, $0x1F;
	s20 =	sand.u32 $0x380, s20;
	[tilespmem:s17+$0x2850 ss:$0x81] =	vst.msk $0xffff, v3;
	s21 =	sadd.s32 s21, s22  }
0x4a: {  	v59 =	vld [tilespmem:s16+$0xFFFFFFF0];
	s26 =	ssub.s32 $0x0, s9;
	s18 =	sadd.s32 s19, s18;
	[tilespmem:s17+$0x3060 ss:$0x81] =	vst.msk $0xffff, v2;
	s23 =	sor.u32 s20, s21  }
0x4b: {  	v60 =	vld [tilespmem:s16+$0x0];
	s28 =	smin.u32 s9, s26;
	s20 =	smov.u32 s8;
	[tilespmem:s17+$0x0 ss:$0x81] =	vst.msk $0xffff, v0;
	s19 =	sshrl.u32 s23, $0x7  }
0x4c: {  	v61 =	vld [tilespmem:s16+$0x10];
	s21 =	sand.u32 s24, s8;
	s20 =	simm.s32 @!p1 $0x18620;
	[tilespmem:s18+$0x3870 ss:$0x81] =	vst.msk $0xffff, v1;
	s25 =	smulhi.u32 $0x14F8B59, s19  }
0x4d: {  	v62 =	vld [tilespmem:s16+$0x20];
	s29 =	sshrl.u32 s9, $0x3;
	p2 =	sgt.s32 s28, $0x7F;
	s20 =	ssub.s32 s20, s21;
	[tilespmem:s18+$0x810 ss:$0x81] =	vst.msk $0xffff, v5  }
0x4e: {  	v63 =	vld [tilespmem:s16+$0xFFFFFFC0];
	[tilespmem:s18+$0x1020 ss:$0x81] =	vst.msk $0xffff, v58;
	s21 =	sadd.s32 $0xFFFE79E0, s20;
	s20 =	ssub.s32 $0x186A0, s20;
	s17 =	sshrl.u32 s25, $0x9  }
0x4f: {  	[tilespmem:s18+$0x1830 ss:$0x81] =	vst.msk $0xffff, v59;
	p1 =	sgt.s32 s21, $0x7F;
	s27 =	smul.u32 $0x186A0, s17;
	s17 =	ssub.s32 $0x80, s28  }
.Ltmp4:
0x50: {  	[tilespmem:s18+$0x2040 ss:$0x81] =	vst.msk $0xffff, v60;
	s20 =	simm.s32 @p1 $0x0;
	s17 =	simm.s32 @p2 $0x0;
	(pc) =	sbr.rel .LBB1_5-.Ltmp4, $4  }
0x51: {  	s30 =	sand.u32 $0xF, s29;
	[tilespmem:s18+$0x2850 ss:$0x81] =	vst.msk $0xffff, v61;
	s16 =	ssub.s32 s19, s27;
	s17 =	smul.u32 s17, s20  }
0x52: {  	[tilespmem:s18+$0x3060 ss:$0x81] =	vst.msk $0xffff, v62;
	s19 =	sadd.s32 s2, s30;
	s16 =	sshll.u32 s16, $0x4  }
0x53: {  	s31 =	sand.u32 $0x7, s9;
	[tilespmem:s18+$0x0 ss:$0x81] =	vst.msk $0xffff, v63;
	s17 =	sand.u32 $0x3FFFFFFF, s17;
	s16 =	sadd.s32 s16, s19  }
0x54: {  	[hbm4b:s16+s31] =	stream.linear.scatter [tilespmem:s15], [sflag:$0x2], s17, $0x20;
	[tilespmem:$0x10100] =	vst v63  }
.LBB1_6:
0x55: {  	_ =	sfence.sel $0x180000  }
0x56: {  	s2 =	simm.s32 $0x1;
	[bflag:$0x0] =	sbarrier.arrive $0xFFFF  }
0x57: {  	s31 =	simm.s32 $0x2;
	[sflag:s2] =	ssyncpa.u1 $0x1  }
0x58: {  	[sflag:s31] =	ssyncpa.u1 $0x1  }
0x59: {  	p0 =	sne.s32 s1, $0x0;
	_ =	strace $0x9000004A  }
0x5a: {  	s0 =	sadd.s32 @!p0 $0x100000, s0;
	[bflag:$0x2] =	sbarrier.arrive $0xFFFF  }
0x5b: {  	[sflag:s0] =	ssyncadd.tile.s32 @!p0 $0x1;
	_ =	shalt  }
.Lfunc_end1:
_tile_overlayer_lowered:
.L_overlay_start_2:
0x5c: {  	(tag) =	ssettag $0x2  }
0x5d: {  	s0 =	rddreg [dreg:$0x0];
	s2 =	stileid.u32  }
0x5e: {  	s1 =	rddreg [dreg:$0x1];
	p0 =	sne.s32 s2, $0x0  }
0x5f: {  	s3 =	rddreg [dreg:$0x2];
	[bflag:$0x3] =	sbarrier.arrive $0xFFFF;
	s2 =	simm.s32 @!p0 $0x1C01  }
0x60: {  	[timem:s3], [sflag:s2] =	dma.local @!p0 [hbm:s0], s1  }
0x61: {  	s0 =	simm.s32 @!p0 $0x1  }
0x62: {  	_ =	swait.ge @!p0 [sflag:s0], s1  }
0x63: {  	s1 =	ssub.s32 @!p0 $0x0, s1;
	[sflag:s0] =	ssyncset.done @!p0 $0x0  }
0x64: {  	[sflag:s0] =	ssyncadd.s32 @!p0 s1  }
0x65: {  	[bflag:$0x3] =	sbarrier.arrive $0xFFFF  }
0x66: {  	_ =	shalt  }

</sc_bundles>
